<compile_context>
chip_gen: v7x
topology: tpu7x:2x2x1
jax: 0.10.2.dev20260603
libtpu: 0.0.44.dev20260713+nightly
codegen_flags: <defaults>
</compile_context>

<pallas_src>
import functools

import numpy as np
import jax
import jax.numpy as jnp
from jax import lax
from jax.experimental import pallas as pl
from jax.experimental.pallas import tpu as pltpu
from jax.experimental.pallas import tpu_sc as plsc

B = 4096
F = 26
V = 100000
D = 32
NFEAT = F + 1
NPAIR = NFEAT * (NFEAT - 1) // 2

NW = 32
PER_W = (B * F) // NW
CH = 128
NCH = PER_W // CH


def _sc_gather(cat_t, tables_t, nf):
    mesh = plsc.VectorSubcoreMesh(core_axis_name="c", subcore_axis_name="s")
    UNITS = (nf * D) // NW

    @functools.partial(
        pl.kernel,
        mesh=mesh,
        out_type=jax.ShapeDtypeStruct((nf, D, B), jnp.float32),
        scratch_types=[
            pltpu.VMEM((V,), jnp.float32),
            pltpu.VMEM((B,), jnp.int32),
            pltpu.VMEM((B,), jnp.float32),
        ],
        compiler_params=pltpu.CompilerParams(
            use_tc_tiling_on_sc=False, needs_layout_passes=False
        ),
    )
    def gather_k(cat_hbm, table_hbm, out_hbm, row_v, idx_v, out_v):
        wid = lax.axis_index("s") * 2 + lax.axis_index("c")

        def unit_body(u, _):
            r = wid * UNITS + u
            f = r // D
            d = lax.rem(r, D)
            pltpu.sync_copy(cat_hbm.at[f], idx_v)
            pltpu.sync_copy(table_hbm.at[f, d], row_v)

            def chunk_body(j, _):
                cidx = idx_v[pl.ds(j * 16, 16)]
                out_v[pl.ds(j * 16, 16)] = plsc.load_gather(row_v, [cidx])
                return 0

            lax.fori_loop(0, B // 16, chunk_body, 0)
            pltpu.sync_copy(out_v, out_hbm.at[f, d])
            return 0

        lax.fori_loop(0, UNITS, unit_body, 0)

    return gather_k(cat_t, tables_t)


BB = 256


def _mm(a, b):
    return lax.dot_general(a, b, (((1,), (0,)), ((), ())),
                           preferred_element_type=jnp.float32)


def _tc_body(dense_ref, emb_ref, bw0, bb0, bw1, bb1, bw2, bb2,
             w0d, w0s, tb0, tw1, tb1, tw2, tb2, tw3, tb3, tw4, tb4,
             out_ref):
    x = dense_ref[...]
    h = jnp.maximum(_mm(x, bw0[...]) + bb0[...], 0.0)
    h = jnp.maximum(_mm(h, bw1[...]) + bb1[...], 0.0)
    dx = _mm(h, bw2[...]) + bb2[...]

    C = jnp.concatenate([emb_ref[...], dx[:, None, :]], axis=1)
    G = lax.dot_general(C, C, (((2,), (2,)), ((0,), (0,))),
                        preferred_element_type=jnp.float32)
    Gf = G.reshape(BB, NFEAT * NFEAT)

    z = _mm(dx, w0d[...]) + _mm(Gf, w0s[...]) + tb0[...]
    h = jnp.maximum(z, 0.0)
    h = jnp.maximum(_mm(h, tw1[...]) + tb1[...], 0.0)
    h = jnp.maximum(_mm(h, tw2[...]) + tb2[...], 0.0)
    h = jnp.maximum(_mm(h, tw3[...]) + tb3[...], 0.0)
    logits = _mm(h, tw4[...]) + tb4[...]
    m = jnp.max(logits, axis=-1, keepdims=True)
    e = jnp.exp(logits - m)
    out_ref[...] = e / jnp.sum(e, axis=-1, keepdims=True)


def _tc_forward(dense, emb3, params):
    grid = B // BB

    def wspec(shape):
        return pl.BlockSpec(shape, lambda i: tuple(0 for _ in shape))

    in_specs = [
        pl.BlockSpec((BB, 13), lambda i: (i, 0)),
        pl.BlockSpec((BB, F, D), lambda i: (i, 0, 0)),
    ] + [wspec(p.shape) for p in params]

    return pl.pallas_call(
        _tc_body,
        grid=(grid,),
        in_specs=in_specs,
        out_specs=pl.BlockSpec((BB, 1), lambda i: (i, 0)),
        out_shape=jax.ShapeDtypeStruct((B, 1), jnp.float32),
    )(dense, emb3, *params)


_PAIRS = np.zeros((NFEAT, NFEAT), np.int32)
_IU = np.triu_indices(NFEAT, 1)
_PAIRS[_IU] = np.arange(1, NPAIR + 1)
_PAIRS[(_IU[1], _IU[0])] = np.arange(1, NPAIR + 1)
_PAIRS_FLAT = _PAIRS.reshape(-1)


def kernel(input_dense, input_cat, emb_tables, bot_Ws, bot_bs, top_Ws, top_bs):
    emb_t = _sc_gather(input_cat.T, emb_tables.transpose(0, 2, 1), F)
    emb3 = emb_t.transpose(2, 0, 1)

    w0 = top_Ws[0]
    w0d = w0[:D]
    w0pad = jnp.concatenate([jnp.zeros((1, w0.shape[1]), jnp.float32),
                             0.5 * w0[D:]], axis=0)
    w0s = w0pad[_PAIRS_FLAT]

    params = [
        bot_Ws[0], bot_bs[0][None, :],
        bot_Ws[1], bot_bs[1][None, :],
        bot_Ws[2], bot_bs[2][None, :],
        w0d, w0s, top_bs[0][None, :],
        top_Ws[1], top_bs[1][None, :],
        top_Ws[2], top_bs[2][None, :],
        top_Ws[3], top_bs[3][None, :],
        top_Ws[4], top_bs[4][None, :],
    ]
    return _tc_forward(input_dense, emb3, params)

# --- scband reference (transcript-rebuilt; emitter-appended) ---
"""Pipeline reference for scband-dlrm-18021682774683 (READ-ONLY COPY).

The authoritative reference and input builder live on the scoring server;
editing this copy changes nothing except your own understanding.
"""

import jax, jax.numpy as jnp
import numpy as np

B = 4096
NUM_DENSE = 13
NUM_SPARSE = 26
VOCAB = 100000
D = 32
ARCH_BOT = [512, 256, 32]
ARCH_TOP = [1024, 1024, 512, 256, 1]


def setup_inputs(seed: int = 0) -> dict:
    key = jax.random.key(seed)
    ks = jax.random.split(key, 40)
    input_dense = jax.random.normal(ks[0], (B, NUM_DENSE), dtype=jnp.float32)
    input_cat = jax.random.randint(ks[1], (B, NUM_SPARSE), 0, VOCAB, dtype=jnp.int32)
    # embedding tables (stacked, all same shape): [F, V, D]
    emb_tables = jax.random.normal(ks[2], (NUM_SPARSE, VOCAB, D), dtype=jnp.float32) * 0.05
    # bottom MLP params
    bot_Ws, bot_bs = [], []
    prev = NUM_DENSE
    for i, units in enumerate(ARCH_BOT):
        bot_Ws.append(jax.random.normal(ks[3 + i], (prev, units), dtype=jnp.float32) * (1.0 / np.sqrt(prev)))
        bot_bs.append(jnp.zeros((units,), dtype=jnp.float32))
        prev = units
    # top MLP params; input dim = D + num_pairs where n_feat = NUM_SPARSE + 1
    n_feat = NUM_SPARSE + 1
    inter_dim = n_feat * (n_feat - 1) // 2
    top_Ws, top_bs = [], []
    prev = D + inter_dim
    for i, units in enumerate(ARCH_TOP):
        top_Ws.append(jax.random.normal(ks[10 + i], (prev, units), dtype=jnp.float32) * (1.0 / np.sqrt(prev)))
        top_bs.append(jnp.zeros((units,), dtype=jnp.float32))
        prev = units
    return {
        "input_dense": input_dense,
        "input_cat": input_cat,
        "emb_tables": emb_tables,
        "bot_Ws": bot_Ws,
        "bot_bs": bot_bs,
        "top_Ws": top_Ws,
        "top_bs": top_bs,
    }


def reference(input_dense, input_cat, emb_tables, bot_Ws, bot_bs, top_Ws, top_bs):
    # Embedding lookups: one table per sparse field (gather -> SparseCore)
    field_ids = jnp.arange(NUM_SPARSE)[None, :]  # [1, F]
    emb_x = emb_tables[field_ids, input_cat]  # [B, F, D]

    # Bottom MLP on dense features (Dense + ReLU between, no activation on last)
    h = input_dense
    for i in range(len(bot_Ws)):
        h = h @ bot_Ws[i] + bot_bs[i]
        if i < len(bot_Ws) - 1:
            h = jax.nn.relu(h)
    dense_x = h  # [B, D]

    # Second-order feature interaction (upper triangle, no self-interaction)
    concat_features = jnp.concatenate([emb_x, dense_x[:, None, :]], axis=1)  # [B, F+1, D]
    dot_products = jnp.matmul(concat_features, jnp.swapaxes(concat_features, 1, 2))  # [B, F+1, F+1]
    n_feat = NUM_SPARSE + 1
    iu = jnp.triu_indices(n_feat, k=1)
    Z = dot_products[:, iu[0], iu[1]]  # [B, n_feat*(n_feat-1)/2]

    z = jnp.concatenate([dense_x, Z], axis=1)

    # Top MLP: relu hidden layers, softmax output
    h = z
    for i in range(len(top_Ws) - 1):
        h = jax.nn.relu(h @ top_Ws[i] + top_bs[i])
    logits = h @ top_Ws[-1] + top_bs[-1]
    p = jax.nn.softmax(logits, axis=-1)
    return p

if __name__ == "__main__":
    import jax
    _d = setup_inputs()
    print(jax.jit(kernel)(*tuple(_d.values())))

</pallas_src>

<mosaic_0001>
#map = affine_map<(d0, d1) -> (0, 0)>
#map1 = affine_map<(d0, d1) -> (0, 0, 0)>
module attributes {stable_mosaic.version = 14 : i64} {
  func.func @gather_k(%arg0: i32, %arg1: i32, %arg2: memref<26x4096xi32, #tpu.memory_space<hbm>>, %arg3: memref<26x32x100000xf32, #tpu.memory_space<hbm>>, %arg4: memref<26x32x4096xf32, #tpu.memory_space<hbm>>, %arg5: memref<100000xf32, #tpu.memory_space<vmem>>, %arg6: memref<4096xi32, #tpu.memory_space<vmem>>, %arg7: memref<4096xf32, #tpu.memory_space<vmem>>) attributes {dimension_semantics = [#tpu.dimension_semantics<core_parallel>, #tpu.dimension_semantics<subcore_parallel>], iteration_bounds = array<i64: 2, 16>, scalar_prefetch = 0 : i64, scratch_operands = 3 : i64, tpu.core_type = #tpu.core_type<sc_vector_subcore>, window_params = [{transform_indices = #map}, {transform_indices = #map1}, {transform_indices = #map1}]} {
    %mul3A = arith.constant 2 : i32
    %mul3A_0 = arith.muli %arg1, %mul3A : i32
    %add3A = arith.addi %mul3A_0, %arg0 : i32
    %scan3A = arith.constant 0 : i32
    %scan3A_1 = arith.constant 0 : i32
    %scan3A_2 = arith.constant 26 : i32
    %scan3A_3 = arith.addi %scan3A_1, %scan3A_2 : i32
    %scan3A_4 = arith.constant 1 : i32
    %scan3A_5 = scf.for %scan3A_7 = %scan3A_1 to %scan3A_3 step %scan3A_4 iter_args(%scan3A_8 = %scan3A) -> (i32)  : i32 {
      %mul3A_9 = arith.constant 26 : i32
      %mul3A_10 = arith.muli %add3A, %mul3A_9 : i32
      %add3A_11 = arith.addi %mul3A_10, %scan3A_7 : i32
      %jit3A = arith.constant 32 : i32
      %div3A = arith.divsi %add3A_11, %jit3A : i32
      %sign3A = arith.constant 0 : i32
      %sign3A_12 = arith.cmpi sgt, %add3A_11, %sign3A : i32
      %sign3A_13 = arith.extui %sign3A_12 : i1 to i32
      %sign3A_14 = arith.constant 0 : i32
      %sign3A_15 = arith.cmpi slt, %add3A_11, %sign3A_14 : i32
      %sign3A_16 = arith.extui %sign3A_15 : i1 to i32
      %sign3A_17 = arith.subi %sign3A_13, %sign3A_16 : i32
      %sign3A_18 = arith.constant 0 : i32
      %sign3A_19 = arith.cmpi sgt, %jit3A, %sign3A_18 : i32
      %sign3A_20 = arith.extui %sign3A_19 : i1 to i32
      %sign3A_21 = arith.constant 0 : i32
      %sign3A_22 = arith.cmpi slt, %jit3A, %sign3A_21 : i32
      %sign3A_23 = arith.extui %sign3A_22 : i1 to i32
      %sign3A_24 = arith.subi %sign3A_20, %sign3A_23 : i32
      %ne3A = arith.cmpi ne, %sign3A_17, %sign3A_24 : i32
      %rem3A = arith.remsi %add3A_11, %jit3A : i32
      %ne3A_25 = arith.constant 0 : i32
      %ne3A_26 = arith.cmpi ne, %rem3A, %ne3A_25 : i32
      %and3A = arith.andi %ne3A, %ne3A_26 : i1
      %sub3A = arith.constant 1 : i32
      %sub3A_27 = arith.subi %div3A, %sub3A : i32
      %select_n3A = arith.select %and3A, %sub3A_27, %div3A : i32
      %rem3A_28 = arith.constant 32 : i32
      %rem3A_29 = arith.remsi %add3A_11, %rem3A_28 : i32
      "tpu.region"() ({
        %run_scoped3A = tpu.sem_alloc : memref<!tpu.dma_semaphore, #tpu.memory_space<semaphore_mem>>
        %dma_start3A = arith.constant 0 : i32
        %dma_start3A_38 = tpu.memref_slice %arg2[%select_n3A, %dma_start3A] : memref<26x4096xi32, #tpu.memory_space<hbm>> -> memref<1x4096xi32, #tpu.memory_space<hbm>>
        %dma_start3A_39 = tpu.memref_squeeze %dma_start3A_38 : memref<1x4096xi32, #tpu.memory_space<hbm>> -> memref<4096xi32, #tpu.memory_space<hbm>>
        %dma_start3A_40 = arith.constant 0 : i32
        %dma_start3A_41 = tpu.memref_slice %arg2[%select_n3A, %dma_start3A_40] : memref<26x4096xi32, #tpu.memory_space<hbm>> -> memref<1x4096xi32, #tpu.memory_space<hbm>>
        %dma_start3A_42 = tpu.memref_squeeze %dma_start3A_41 : memref<1x4096xi32, #tpu.memory_space<hbm>> -> memref<4096xi32, #tpu.memory_space<hbm>>
        tpu.enqueue_dma source(%dma_start3A_42 : memref<4096xi32, #tpu.memory_space<hbm>>) target(%arg6 : memref<4096xi32, #tpu.memory_space<vmem>>) target_semaphore(%run_scoped3A : memref<!tpu.dma_semaphore, #tpu.memory_space<semaphore_mem>>)
        %dma_wait3A = arith.constant 0 : i32
        %dma_wait3A_43 = tpu.memref_slice %arg2[%select_n3A, %dma_wait3A] : memref<26x4096xi32, #tpu.memory_space<hbm>> -> memref<1x4096xi32, #tpu.memory_space<hbm>>
        %dma_wait3A_44 = tpu.memref_squeeze %dma_wait3A_43 : memref<1x4096xi32, #tpu.memory_space<hbm>> -> memref<4096xi32, #tpu.memory_space<hbm>>
        %dma_wait3A_45 = arith.constant 0 : i32
        %dma_wait3A_46 = tpu.memref_slice %arg2[%select_n3A, %dma_wait3A_45] : memref<26x4096xi32, #tpu.memory_space<hbm>> -> memref<1x4096xi32, #tpu.memory_space<hbm>>
        %dma_wait3A_47 = tpu.memref_squeeze %dma_wait3A_46 : memref<1x4096xi32, #tpu.memory_space<hbm>> -> memref<4096xi32, #tpu.memory_space<hbm>>
        tpu.wait_dma2 semaphore(%run_scoped3A : memref<!tpu.dma_semaphore, #tpu.memory_space<semaphore_mem>>) src(%dma_wait3A_47 : memref<4096xi32, #tpu.memory_space<hbm>>) dst(%arg6 : memref<4096xi32, #tpu.memory_space<vmem>>)
        tpu.yield
      }) : () -> ()
      "tpu.region"() ({
        %run_scoped3A = tpu.sem_alloc : memref<!tpu.dma_semaphore, #tpu.memory_space<semaphore_mem>>
        %dma_start3A = arith.constant 0 : i32
        %dma_start3A_38 = tpu.memref_slice %arg3[%select_n3A, %rem3A_29, %dma_start3A] : memref<26x32x100000xf32, #tpu.memory_space<hbm>> -> memref<1x1x100000xf32, #tpu.memory_space<hbm>>
        %dma_start3A_39 = tpu.memref_squeeze %dma_start3A_38 : memref<1x1x100000xf32, #tpu.memory_space<hbm>> -> memref<100000xf32, #tpu.memory_space<hbm>>
        %dma_start3A_40 = arith.constant 0 : i32
        %dma_start3A_41 = tpu.memref_slice %arg3[%select_n3A, %rem3A_29, %dma_start3A_40] : memref<26x32x100000xf32, #tpu.memory_space<hbm>> -> memref<1x1x100000xf32, #tpu.memory_space<hbm>>
        %dma_start3A_42 = tpu.memref_squeeze %dma_start3A_41 : memref<1x1x100000xf32, #tpu.memory_space<hbm>> -> memref<100000xf32, #tpu.memory_space<hbm>>
        tpu.enqueue_dma source(%dma_start3A_42 : memref<100000xf32, #tpu.memory_space<hbm>>) target(%arg5 : memref<100000xf32, #tpu.memory_space<vmem>>) target_semaphore(%run_scoped3A : memref<!tpu.dma_semaphore, #tpu.memory_space<semaphore_mem>>)
        %dma_wait3A = arith.constant 0 : i32
        %dma_wait3A_43 = tpu.memref_slice %arg3[%select_n3A, %rem3A_29, %dma_wait3A] : memref<26x32x100000xf32, #tpu.memory_space<hbm>> -> memref<1x1x100000xf32, #tpu.memory_space<hbm>>
        %dma_wait3A_44 = tpu.memref_squeeze %dma_wait3A_43 : memref<1x1x100000xf32, #tpu.memory_space<hbm>> -> memref<100000xf32, #tpu.memory_space<hbm>>
        %dma_wait3A_45 = arith.constant 0 : i32
        %dma_wait3A_46 = tpu.memref_slice %arg3[%select_n3A, %rem3A_29, %dma_wait3A_45] : memref<26x32x100000xf32, #tpu.memory_space<hbm>> -> memref<1x1x100000xf32, #tpu.memory_space<hbm>>
        %dma_wait3A_47 = tpu.memref_squeeze %dma_wait3A_46 : memref<1x1x100000xf32, #tpu.memory_space<hbm>> -> memref<100000xf32, #tpu.memory_space<hbm>>
        tpu.wait_dma2 semaphore(%run_scoped3A : memref<!tpu.dma_semaphore, #tpu.memory_space<semaphore_mem>>) src(%dma_wait3A_47 : memref<100000xf32, #tpu.memory_space<hbm>>) dst(%arg5 : memref<100000xf32, #tpu.memory_space<vmem>>)
        tpu.yield
      }) : () -> ()
      %scan3A_30 = arith.constant 0 : i32
      %scan3A_31 = arith.constant 0 : i32
      %scan3A_32 = arith.constant 256 : i32
      %scan3A_33 = arith.addi %scan3A_31, %scan3A_32 : i32
      %scan3A_34 = arith.constant 1 : i32
      %scan3A_35 = scf.for %scan3A_38 = %scan3A_31 to %scan3A_33 step %scan3A_34 iter_args(%scan3A_39 = %scan3A_30) -> (i32)  : i32 {
        %mul3A_40 = arith.constant 16 : i32
        %mul3A_41 = arith.muli %scan3A_38, %mul3A_40 : i32
        %get3A = arith.index_cast %mul3A_41 : i32 to index
        %get3A_42 = tpu.vector_load %arg6[%get3A] {strides = array<i32>} : memref<4096xi32, #tpu.memory_space<vmem>>, vector<16xi32>,
        %gather3A = tpu.vector_load_idx %arg5[%get3A_42] : memref<100000xf32, #tpu.memory_space<vmem>>[vector<16xi32>], vector<16xf32>,
        %mul3A_43 = arith.constant 16 : i32
        %mul3A_44 = arith.muli %scan3A_38, %mul3A_43 : i32
        %swap3A = arith.index_cast %mul3A_44 : i32 to index
        %swap3A_45 = tpu.vector_load %arg7[%swap3A] {strides = array<i32>} : memref<4096xf32, #tpu.memory_space<vmem>>, vector<16xf32>,
        tpu.vector_store %arg7[%swap3A], %gather3A {strides = array<i32>} : memref<4096xf32, #tpu.memory_space<vmem>>, vector<16xf32>,
        %scan3A_46 = arith.constant 0 : i32
        scf.yield %scan3A_46 : i32
      }
      %scan3A_36 = arith.constant 256 : i32
      "tpu.region"() ({
        %run_scoped3A = tpu.sem_alloc : memref<!tpu.dma_semaphore, #tpu.memory_space<semaphore_mem>>
        %dma_start3A = arith.constant 0 : i32
        %dma_start3A_38 = tpu.memref_slice %arg4[%select_n3A, %rem3A_29, %dma_start3A] : memref<26x32x4096xf32, #tpu.memory_space<hbm>> -> memref<1x1x4096xf32, #tpu.memory_space<hbm>>
        %dma_start3A_39 = tpu.memref_squeeze %dma_start3A_38 : memref<1x1x4096xf32, #tpu.memory_space<hbm>> -> memref<4096xf32, #tpu.memory_space<hbm>>
        %dma_start3A_40 = arith.constant 0 : i32
        %dma_start3A_41 = tpu.memref_slice %arg4[%select_n3A, %rem3A_29, %dma_start3A_40] : memref<26x32x4096xf32, #tpu.memory_space<hbm>> -> memref<1x1x4096xf32, #tpu.memory_space<hbm>>
        %dma_start3A_42 = tpu.memref_squeeze %dma_start3A_41 : memref<1x1x4096xf32, #tpu.memory_space<hbm>> -> memref<4096xf32, #tpu.memory_space<hbm>>
        tpu.enqueue_dma source(%arg7 : memref<4096xf32, #tpu.memory_space<vmem>>) target(%dma_start3A_42 : memref<4096xf32, #tpu.memory_space<hbm>>) target_semaphore(%run_scoped3A : memref<!tpu.dma_semaphore, #tpu.memory_space<semaphore_mem>>)
        %dma_wait3A = arith.constant 0 : i32
        %dma_wait3A_43 = tpu.memref_slice %arg4[%select_n3A, %rem3A_29, %dma_wait3A] : memref<26x32x4096xf32, #tpu.memory_space<hbm>> -> memref<1x1x4096xf32, #tpu.memory_space<hbm>>
        %dma_wait3A_44 = tpu.memref_squeeze %dma_wait3A_43 : memref<1x1x4096xf32, #tpu.memory_space<hbm>> -> memref<4096xf32, #tpu.memory_space<hbm>>
        %dma_wait3A_45 = arith.constant 0 : i32
        %dma_wait3A_46 = tpu.memref_slice %arg4[%select_n3A, %rem3A_29, %dma_wait3A_45] : memref<26x32x4096xf32, #tpu.memory_space<hbm>> -> memref<1x1x4096xf32, #tpu.memory_space<hbm>>
        %dma_wait3A_47 = tpu.memref_squeeze %dma_wait3A_46 : memref<1x1x4096xf32, #tpu.memory_space<hbm>> -> memref<4096xf32, #tpu.memory_space<hbm>>
        tpu.wait_dma2 semaphore(%run_scoped3A : memref<!tpu.dma_semaphore, #tpu.memory_space<semaphore_mem>>) src(%arg7 : memref<4096xf32, #tpu.memory_space<vmem>>) dst(%dma_wait3A_47 : memref<4096xf32, #tpu.memory_space<hbm>>)
        tpu.yield
      }) : () -> ()
      %scan3A_37 = arith.constant 0 : i32
      scf.yield %scan3A_37 : i32
    }
    %scan3A_6 = arith.constant 26 : i32
    return
  }
}

module attributes {stable_mosaic.version = 14 : i64} {
  func.func @_tc_body(%arg0: i32, %arg1: memref<256x13xf32, #tpu.memory_space<vmem>>, %arg2: memref<256x26x32xf32, #tpu.memory_space<vmem>>, %arg3: memref<13x512xf32, #tpu.memory_space<vmem>>, %arg4: memref<1x512xf32, #tpu.memory_space<vmem>>, %arg5: memref<512x256xf32, #tpu.memory_space<vmem>>, %arg6: memref<1x256xf32, #tpu.memory_space<vmem>>, %arg7: memref<256x32xf32, #tpu.memory_space<vmem>>, %arg8: memref<1x32xf32, #tpu.memory_space<vmem>>, %arg9: memref<32x1024xf32, #tpu.memory_space<vmem>>, %arg10: memref<729x1024xf32, #tpu.memory_space<vmem>>, %arg11: memref<1x1024xf32, #tpu.memory_space<vmem>>, %arg12: memref<1024x1024xf32, #tpu.memory_space<vmem>>, %arg13: memref<1x1024xf32, #tpu.memory_space<vmem>>, %arg14: memref<1024x512xf32, #tpu.memory_space<vmem>>, %arg15: memref<1x512xf32, #tpu.memory_space<vmem>>, %arg16: memref<512x256xf32, #tpu.memory_space<vmem>>, %arg17: memref<1x256xf32, #tpu.memory_space<vmem>>, %arg18: memref<256x1xf32, #tpu.memory_space<vmem>>, %arg19: memref<1x1xf32, #tpu.memory_space<vmem>>, %arg20: memref<256x1xf32, #tpu.memory_space<vmem>>) attributes {dimension_semantics = [#tpu.dimension_semantics<arbitrary>], iteration_bounds = array<i64: 16>, scalar_prefetch = 0 : i64, scratch_operands = 0 : i64, tpu.core_type = #tpu.core_type<tc>, window_params = [{transform_indices = @transform_0, window_bounds = array<i64: 256, 13>}, {transform_indices = @transform_1, window_bounds = array<i64: 256, 26, 32>}, {pipeline_mode = #tpu.pipeline_mode<synchronous>, transform_indices = @transform_2, window_bounds = array<i64: 13, 512>}, {pipeline_mode = #tpu.pipeline_mode<synchronous>, transform_indices = @transform_3, window_bounds = array<i64: 1, 512>}, {pipeline_mode = #tpu.pipeline_mode<synchronous>, transform_indices = @transform_4, window_bounds = array<i64: 512, 256>}, {pipeline_mode = #tpu.pipeline_mode<synchronous>, transform_indices = @transform_5, window_bounds = array<i64: 1, 256>}, {pipeline_mode = #tpu.pipeline_mode<synchronous>, transform_indices = @transform_6, window_bounds = array<i64: 256, 32>}, {pipeline_mode = #tpu.pipeline_mode<synchronous>, transform_indices = @transform_7, window_bounds = array<i64: 1, 32>}, {pipeline_mode = #tpu.pipeline_mode<synchronous>, transform_indices = @transform_8, window_bounds = array<i64: 32, 1024>}, {pipeline_mode = #tpu.pipeline_mode<synchronous>, transform_indices = @transform_9, window_bounds = array<i64: 729, 1024>}, {pipeline_mode = #tpu.pipeline_mode<synchronous>, transform_indices = @transform_10, window_bounds = array<i64: 1, 1024>}, {pipeline_mode = #tpu.pipeline_mode<synchronous>, transform_indices = @transform_11, window_bounds = array<i64: 1024, 1024>}, {pipeline_mode = #tpu.pipeline_mode<synchronous>, transform_indices = @transform_12, window_bounds = array<i64: 1, 1024>}, {pipeline_mode = #tpu.pipeline_mode<synchronous>, transform_indices = @transform_13, window_bounds = array<i64: 1024, 512>}, {pipeline_mode = #tpu.pipeline_mode<synchronous>, transform_indices = @transform_14, window_bounds = array<i64: 1, 512>}, {pipeline_mode = #tpu.pipeline_mode<synchronous>, transform_indices = @transform_15, window_bounds = array<i64: 512, 256>}, {pipeline_mode = #tpu.pipeline_mode<synchronous>, transform_indices = @transform_16, window_bounds = array<i64: 1, 256>}, {pipeline_mode = #tpu.pipeline_mode<synchronous>, transform_indices = @transform_17, window_bounds = array<i64: 256, 1>}, {pipeline_mode = #tpu.pipeline_mode<synchronous>, transform_indices = @transform_18, window_bounds = array<i64: 1, 1>}, {transform_indices = @transform_19, window_bounds = array<i64: 256, 1>}]} {
    %get3A = arith.constant 0 : index
    %get3A_0 = arith.constant 0 : index
    %get3A_1 = vector.load %arg1[%get3A, %get3A_0] : memref<256x13xf32, #tpu.memory_space<vmem>>, vector<256x13xf32>
    %get3A_2 = arith.constant 0 : index
    %get3A_3 = arith.constant 0 : index
    %get3A_4 = vector.load %arg3[%get3A_2, %get3A_3] : memref<13x512xf32, #tpu.memory_space<vmem>>, vector<13x512xf32>
    %dot_general3A = arith.constant dense<0.000000e+00> : vector<256x512xf32>
    %dot_general3A_5 = tpu.matmul %get3A_1, %get3A_4, %dot_general3A {dimension_numbers = #tpu.dot_dimension_numbers<[1], [0], [0], [1], [0, 0, 1, 1], [], []>, transpose_lhs_hint = false} : vector<256x13xf32>, vector<13x512xf32>, vector<256x512xf32> -> vector<256x512xf32>
    %get3A_6 = arith.constant 0 : index
    %get3A_7 = arith.constant 0 : index
    %get3A_8 = vector.load %arg4[%get3A_6, %get3A_7] : memref<1x512xf32, #tpu.memory_space<vmem>>, vector<1x512xf32>
    %add3A = vector.broadcast %get3A_8 : vector<1x512xf32> to vector<256x512xf32>
    %add3A_9 = arith.addf %dot_general3A_5, %add3A : vector<256x512xf32>
    %max3A = arith.constant 0.000000e+00 : f32
    %max3A_10 = vector.broadcast %max3A : f32 to vector<256x512xf32>
    %max3A_11 = arith.maximumf %add3A_9, %max3A_10 : vector<256x512xf32>
    %get3A_12 = arith.constant 0 : index
    %get3A_13 = arith.constant 0 : index
    %get3A_14 = vector.load %arg5[%get3A_12, %get3A_13] : memref<512x256xf32, #tpu.memory_space<vmem>>, vector<512x256xf32>
    %dot_general3A_15 = arith.constant dense<0.000000e+00> : vector<256x256xf32>
    %dot_general3A_16 = tpu.matmul %max3A_11, %get3A_14, %dot_general3A_15 {dimension_numbers = #tpu.dot_dimension_numbers<[1], [0], [0], [1], [0, 0, 1, 1], [], []>, transpose_lhs_hint = false} : vector<256x512xf32>, vector<512x256xf32>, vector<256x256xf32> -> vector<256x256xf32>
    %get3A_17 = arith.constant 0 : index
    %get3A_18 = arith.constant 0 : index
    %get3A_19 = vector.load %arg6[%get3A_17, %get3A_18] : memref<1x256xf32, #tpu.memory_space<vmem>>, vector<1x256xf32>
    %add3A_20 = vector.broadcast %get3A_19 : vector<1x256xf32> to vector<256x256xf32>
    %add3A_21 = arith.addf %dot_general3A_16, %add3A_20 : vector<256x256xf32>
    %max3A_22 = arith.constant 0.000000e+00 : f32
    %max3A_23 = vector.broadcast %max3A_22 : f32 to vector<256x256xf32>
    %max3A_24 = arith.maximumf %add3A_21, %max3A_23 : vector<256x256xf32>
    %get3A_25 = arith.constant 0 : index
    %get3A_26 = arith.constant 0 : index
    %get3A_27 = vector.load %arg7[%get3A_25, %get3A_26] : memref<256x32xf32, #tpu.memory_space<vmem>>, vector<256x32xf32>
    %dot_general3A_28 = arith.constant dense<0.000000e+00> : vector<256x32xf32>
    %dot_general3A_29 = tpu.matmul %max3A_24, %get3A_27, %dot_general3A_28 {dimension_numbers = #tpu.dot_dimension_numbers<[1], [0], [0], [1], [0, 0, 1, 1], [], []>, transpose_lhs_hint = false} : vector<256x256xf32>, vector<256x32xf32>, vector<256x32xf32> -> vector<256x32xf32>
    %get3A_30 = arith.constant 0 : index
    %get3A_31 = arith.constant 0 : index
    %get3A_32 = vector.load %arg8[%get3A_30, %get3A_31] : memref<1x32xf32, #tpu.memory_space<vmem>>, vector<1x32xf32>
    %add3A_33 = vector.broadcast %get3A_32 : vector<1x32xf32> to vector<256x32xf32>
    %add3A_34 = arith.addf %dot_general3A_29, %add3A_33 : vector<256x32xf32>
    %get3A_35 = arith.constant 0 : index
    %get3A_36 = arith.constant 0 : index
    %get3A_37 = arith.constant 0 : index
    %get3A_38 = vector.load %arg2[%get3A_35, %get3A_36, %get3A_37] : memref<256x26x32xf32, #tpu.memory_space<vmem>>, vector<256x26x32xf32>
    %broadcast_in_dim3A = vector.shape_cast %add3A_34 : vector<256x32xf32> to vector<256x1x32xf32>
    %concatenate3A = tpu.concatenate %get3A_38, %broadcast_in_dim3A in 1 : vector<256x26x32xf32>, vector<256x1x32xf32> -> vector<256x27x32xf32>
    %dot_general3A_39 = arith.constant dense<0.000000e+00> : vector<256x27x27xf32>
    %dot_general3A_40 = tpu.matmul %concatenate3A, %concatenate3A, %dot_general3A_39 {dimension_numbers = #tpu.dot_dimension_numbers<[2], [2], [1], [1], [0, 0, 0, 1, 1, 1], [0], [0]>, transpose_lhs_hint = false} : vector<256x27x32xf32>, vector<256x27x32xf32>, vector<256x27x27xf32> -> vector<256x27x27xf32>
    %reshape3A = vector.shape_cast %dot_general3A_40 : vector<256x27x27xf32> to vector<256x729xf32>
    %get3A_41 = arith.constant 0 : index
    %get3A_42 = arith.constant 0 : index
    %get3A_43 = vector.load %arg9[%get3A_41, %get3A_42] : memref<32x1024xf32, #tpu.memory_space<vmem>>, vector<32x1024xf32>
    %dot_general3A_44 = arith.constant dense<0.000000e+00> : vector<256x1024xf32>
    %dot_general3A_45 = tpu.matmul %add3A_34, %get3A_43, %dot_general3A_44 {dimension_numbers = #tpu.dot_dimension_numbers<[1], [0], [0], [1], [0, 0, 1, 1], [], []>, transpose_lhs_hint = false} : vector<256x32xf32>, vector<32x1024xf32>, vector<256x1024xf32> -> vector<256x1024xf32>
    %get3A_46 = arith.constant 0 : index
    %get3A_47 = arith.constant 0 : index
    %get3A_48 = vector.load %arg10[%get3A_46, %get3A_47] : memref<729x1024xf32, #tpu.memory_space<vmem>>, vector<729x1024xf32>
    %dot_general3A_49 = arith.constant dense<0.000000e+00> : vector<256x1024xf32>
    %dot_general3A_50 = tpu.matmul %reshape3A, %get3A_48, %dot_general3A_49 {dimension_numbers = #tpu.dot_dimension_numbers<[1], [0], [0], [1], [0, 0, 1, 1], [], []>, transpose_lhs_hint = false} : vector<256x729xf32>, vector<729x1024xf32>, vector<256x1024xf32> -> vector<256x1024xf32>
    %add3A_51 = arith.addf %dot_general3A_45, %dot_general3A_50 : vector<256x1024xf32>
    %get3A_52 = arith.constant 0 : index
    %get3A_53 = arith.constant 0 : index
    %get3A_54 = vector.load %arg11[%get3A_52, %get3A_53] : memref<1x1024xf32, #tpu.memory_space<vmem>>, vector<1x1024xf32>
    %add3A_55 = vector.broadcast %get3A_54 : vector<1x1024xf32> to vector<256x1024xf32>
    %add3A_56 = arith.addf %add3A_51, %add3A_55 : vector<256x1024xf32>
    %max3A_57 = arith.constant 0.000000e+00 : f32
    %max3A_58 = vector.broadcast %max3A_57 : f32 to vector<256x1024xf32>
    %max3A_59 = arith.maximumf %add3A_56, %max3A_58 : vector<256x1024xf32>
    %get3A_60 = arith.constant 0 : index
    %get3A_61 = arith.constant 0 : index
    %get3A_62 = vector.load %arg12[%get3A_60, %get3A_61] : memref<1024x1024xf32, #tpu.memory_space<vmem>>, vector<1024x1024xf32>
    %dot_general3A_63 = arith.constant dense<0.000000e+00> : vector<256x1024xf32>
    %dot_general3A_64 = tpu.matmul %max3A_59, %get3A_62, %dot_general3A_63 {dimension_numbers = #tpu.dot_dimension_numbers<[1], [0], [0], [1], [0, 0, 1, 1], [], []>, transpose_lhs_hint = false} : vector<256x1024xf32>, vector<1024x1024xf32>, vector<256x1024xf32> -> vector<256x1024xf32>
    %get3A_65 = arith.constant 0 : index
    %get3A_66 = arith.constant 0 : index
    %get3A_67 = vector.load %arg13[%get3A_65, %get3A_66] : memref<1x1024xf32, #tpu.memory_space<vmem>>, vector<1x1024xf32>
    %add3A_68 = vector.broadcast %get3A_67 : vector<1x1024xf32> to vector<256x1024xf32>
    %add3A_69 = arith.addf %dot_general3A_64, %add3A_68 : vector<256x1024xf32>
    %max3A_70 = arith.constant 0.000000e+00 : f32
    %max3A_71 = vector.broadcast %max3A_70 : f32 to vector<256x1024xf32>
    %max3A_72 = arith.maximumf %add3A_69, %max3A_71 : vector<256x1024xf32>
    %get3A_73 = arith.constant 0 : index
    %get3A_74 = arith.constant 0 : index
    %get3A_75 = vector.load %arg14[%get3A_73, %get3A_74] : memref<1024x512xf32, #tpu.memory_space<vmem>>, vector<1024x512xf32>
    %dot_general3A_76 = arith.constant dense<0.000000e+00> : vector<256x512xf32>
    %dot_general3A_77 = tpu.matmul %max3A_72, %get3A_75, %dot_general3A_76 {dimension_numbers = #tpu.dot_dimension_numbers<[1], [0], [0], [1], [0, 0, 1, 1], [], []>, transpose_lhs_hint = false} : vector<256x1024xf32>, vector<1024x512xf32>, vector<256x512xf32> -> vector<256x512xf32>
    %get3A_78 = arith.constant 0 : index
    %get3A_79 = arith.constant 0 : index
    %get3A_80 = vector.load %arg15[%get3A_78, %get3A_79] : memref<1x512xf32, #tpu.memory_space<vmem>>, vector<1x512xf32>
    %add3A_81 = vector.broadcast %get3A_80 : vector<1x512xf32> to vector<256x512xf32>
    %add3A_82 = arith.addf %dot_general3A_77, %add3A_81 : vector<256x512xf32>
    %max3A_83 = arith.constant 0.000000e+00 : f32
    %max3A_84 = vector.broadcast %max3A_83 : f32 to vector<256x512xf32>
    %max3A_85 = arith.maximumf %add3A_82, %max3A_84 : vector<256x512xf32>
    %get3A_86 = arith.constant 0 : index
    %get3A_87 = arith.constant 0 : index
    %get3A_88 = vector.load %arg16[%get3A_86, %get3A_87] : memref<512x256xf32, #tpu.memory_space<vmem>>, vector<512x256xf32>
    %dot_general3A_89 = arith.constant dense<0.000000e+00> : vector<256x256xf32>
    %dot_general3A_90 = tpu.matmul %max3A_85, %get3A_88, %dot_general3A_89 {dimension_numbers = #tpu.dot_dimension_numbers<[1], [0], [0], [1], [0, 0, 1, 1], [], []>, transpose_lhs_hint = false} : vector<256x512xf32>, vector<512x256xf32>, vector<256x256xf32> -> vector<256x256xf32>
    %get3A_91 = arith.constant 0 : index
    %get3A_92 = arith.constant 0 : index
    %get3A_93 = vector.load %arg17[%get3A_91, %get3A_92] : memref<1x256xf32, #tpu.memory_space<vmem>>, vector<1x256xf32>
    %add3A_94 = vector.broadcast %get3A_93 : vector<1x256xf32> to vector<256x256xf32>
    %add3A_95 = arith.addf %dot_general3A_90, %add3A_94 : vector<256x256xf32>
    %max3A_96 = arith.constant 0.000000e+00 : f32
    %max3A_97 = vector.broadcast %max3A_96 : f32 to vector<256x256xf32>
    %max3A_98 = arith.maximumf %add3A_95, %max3A_97 : vector<256x256xf32>
    %get3A_99 = arith.constant 0 : index
    %get3A_100 = arith.constant 0 : index
    %get3A_101 = vector.load %arg18[%get3A_99, %get3A_100] : memref<256x1xf32, #tpu.memory_space<vmem>>, vector<256x1xf32>
    %dot_general3A_102 = arith.constant dense<0.000000e+00> : vector<256x1xf32>
    %dot_general3A_103 = tpu.matmul %max3A_98, %get3A_101, %dot_general3A_102 {dimension_numbers = #tpu.dot_dimension_numbers<[1], [0], [0], [1], [0, 0, 1, 1], [], []>, transpose_lhs_hint = false} : vector<256x256xf32>, vector<256x1xf32>, vector<256x1xf32> -> vector<256x1xf32>
    %get3A_104 = arith.constant 0 : index
    %get3A_105 = arith.constant 0 : index
    %get3A_106 = vector.load %arg19[%get3A_104, %get3A_105] : memref<1x1xf32, #tpu.memory_space<vmem>>, vector<1x1xf32>
    %add3A_107 = vector.broadcast %get3A_106 : vector<1x1xf32> to vector<256x1xf32>
    %add3A_108 = arith.addf %dot_general3A_103, %add3A_107 : vector<256x1xf32>
    %reduce_max3A = arith.constant dense<0xFF800000> : vector<256xf32>
    %reduce_max3A_109 = vector.multi_reduction <maximumf>, %add3A_108, %reduce_max3A [1] : vector<256x1xf32> to vector<256xf32>
    %broadcast_in_dim3A_110 = vector.shape_cast %reduce_max3A_109 : vector<256xf32> to vector<256x1xf32>
    %sub3A = arith.subf %add3A_108, %broadcast_in_dim3A_110 : vector<256x1xf32>
    %exp3A = math.exp %sub3A : vector<256x1xf32>
    %reduce_sum3A = arith.constant dense<0.000000e+00> : vector<256xf32>
    %reduce_sum3A_111 = vector.multi_reduction <add>, %exp3A, %reduce_sum3A [1] : vector<256x1xf32> to vector<256xf32>
    %broadcast_in_dim3A_112 = vector.shape_cast %reduce_sum3A_111 : vector<256xf32> to vector<256x1xf32>
    %div3A = arith.divf %exp3A, %broadcast_in_dim3A_112 : vector<256x1xf32>
    %swap3A = arith.constant 0 : index
    %swap3A_113 = arith.constant 0 : index
    %swap3A_114 = vector.load %arg20[%swap3A, %swap3A_113] : memref<256x1xf32, #tpu.memory_space<vmem>>, vector<256x1xf32>
    tpu.vector_store %arg20[%swap3A, %swap3A_113], %div3A {strides = array<i32>} : memref<256x1xf32, #tpu.memory_space<vmem>>, vector<256x1xf32>,
    return
  }
  func.func @transform_0(%arg0: i32) -> (i32, i32) {
    %c0_i32 = arith.constant 0 : i32
    %c0_i32_0 = arith.constant 0 : i32
    return %arg0, %c0_i32 : i32, i32
  }
  func.func @transform_1(%arg0: i32) -> (i32, i32, i32) {
    %c0_i32 = arith.constant 0 : i32
    %c0_i32_0 = arith.constant 0 : i32
    %c0_i32_1 = arith.constant 0 : i32
    return %arg0, %c0_i32, %c0_i32_0 : i32, i32, i32
  }
  func.func @transform_2(%arg0: i32) -> (i32, i32) {
    %c0_i32 = arith.constant 0 : i32
    %c0_i32_0 = arith.constant 0 : i32
    %c0_i32_1 = arith.constant 0 : i32
    return %c0_i32, %c0_i32_0 : i32, i32
  }
  func.func @transform_3(%arg0: i32) -> (i32, i32) {
    %c0_i32 = arith.constant 0 : i32
    %c0_i32_0 = arith.constant 0 : i32
    %c0_i32_1 = arith.constant 0 : i32
    return %c0_i32, %c0_i32_0 : i32, i32
  }
  func.func @transform_4(%arg0: i32) -> (i32, i32) {
    %c0_i32 = arith.constant 0 : i32
    %c0_i32_0 = arith.constant 0 : i32
    %c0_i32_1 = arith.constant 0 : i32
    return %c0_i32, %c0_i32_0 : i32, i32
  }
  func.func @transform_5(%arg0: i32) -> (i32, i32) {
    %c0_i32 = arith.constant 0 : i32
    %c0_i32_0 = arith.constant 0 : i32
    %c0_i32_1 = arith.constant 0 : i32
    return %c0_i32, %c0_i32_0 : i32, i32
  }
  func.func @transform_6(%arg0: i32) -> (i32, i32) {
    %c0_i32 = arith.constant 0 : i32
    %c0_i32_0 = arith.constant 0 : i32
    %c0_i32_1 = arith.constant 0 : i32
    return %c0_i32, %c0_i32_0 : i32, i32
  }
  func.func @transform_7(%arg0: i32) -> (i32, i32) {
    %c0_i32 = arith.constant 0 : i32
    %c0_i32_0 = arith.constant 0 : i32
    %c0_i32_1 = arith.constant 0 : i32
    return %c0_i32, %c0_i32_0 : i32, i32
  }
  func.func @transform_8(%arg0: i32) -> (i32, i32) {
    %c0_i32 = arith.constant 0 : i32
    %c0_i32_0 = arith.constant 0 : i32
    %c0_i32_1 = arith.constant 0 : i32
    return %c0_i32, %c0_i32_0 : i32, i32
  }
  func.func @transform_9(%arg0: i32) -> (i32, i32) {
    %c0_i32 = arith.constant 0 : i32
    %c0_i32_0 = arith.constant 0 : i32
    %c0_i32_1 = arith.constant 0 : i32
    return %c0_i32, %c0_i32_0 : i32, i32
  }
  func.func @transform_10(%arg0: i32) -> (i32, i32) {
    %c0_i32 = arith.constant 0 : i32
    %c0_i32_0 = arith.constant 0 : i32
    %c0_i32_1 = arith.constant 0 : i32
    return %c0_i32, %c0_i32_0 : i32, i32
  }
  func.func @transform_11(%arg0: i32) -> (i32, i32) {
    %c0_i32 = arith.constant 0 : i32
    %c0_i32_0 = arith.constant 0 : i32
    %c0_i32_1 = arith.constant 0 : i32
    return %c0_i32, %c0_i32_0 : i32, i32
  }
  func.func @transform_12(%arg0: i32) -> (i32, i32) {
    %c0_i32 = arith.constant 0 : i32
    %c0_i32_0 = arith.constant 0 : i32
    %c0_i32_1 = arith.constant 0 : i32
    return %c0_i32, %c0_i32_0 : i32, i32
  }
  func.func @transform_13(%arg0: i32) -> (i32, i32) {
    %c0_i32 = arith.constant 0 : i32
    %c0_i32_0 = arith.constant 0 : i32
    %c0_i32_1 = arith.constant 0 : i32
    return %c0_i32, %c0_i32_0 : i32, i32
  }
  func.func @transform_14(%arg0: i32) -> (i32, i32) {
    %c0_i32 = arith.constant 0 : i32
    %c0_i32_0 = arith.constant 0 : i32
    %c0_i32_1 = arith.constant 0 : i32
    return %c0_i32, %c0_i32_0 : i32, i32
  }
  func.func @transform_15(%arg0: i32) -> (i32, i32) {
    %c0_i32 = arith.constant 0 : i32
    %c0_i32_0 = arith.constant 0 : i32
    %c0_i32_1 = arith.constant 0 : i32
    return %c0_i32, %c0_i32_0 : i32, i32
  }
  func.func @transform_16(%arg0: i32) -> (i32, i32) {
    %c0_i32 = arith.constant 0 : i32
    %c0_i32_0 = arith.constant 0 : i32
    %c0_i32_1 = arith.constant 0 : i32
    return %c0_i32, %c0_i32_0 : i32, i32
  }
  func.func @transform_17(%arg0: i32) -> (i32, i32) {
    %c0_i32 = arith.constant 0 : i32
    %c0_i32_0 = arith.constant 0 : i32
    %c0_i32_1 = arith.constant 0 : i32
    return %c0_i32, %c0_i32_0 : i32, i32
  }
  func.func @transform_18(%arg0: i32) -> (i32, i32) {
    %c0_i32 = arith.constant 0 : i32
    %c0_i32_0 = arith.constant 0 : i32
    %c0_i32_1 = arith.constant 0 : i32
    return %c0_i32, %c0_i32_0 : i32, i32
  }
  func.func @transform_19(%arg0: i32) -> (i32, i32) {
    %c0_i32 = arith.constant 0 : i32
    %c0_i32_0 = arith.constant 0 : i32
    return %arg0, %c0_i32 : i32, i32
  }
}

</mosaic_0001>

<sc_bundles>
// kernel: kernel.4.cloned.1.call-start
scs
__scs_entry_jumppad:
0x0: {  	(pc) =	sbr.rel $0x88, $3  }
0x1: {  	(tag) =	ssettag $0x0;
	lr =	simm.s32 $0x1  }
0x2: {  	[smem:$0x3F8E] =	sst lr;
	_ =	strace $0xD0000000  }
0x3: {  	_ = 	snop  }
0x4: {  	_ = 	snop  }
0x5: {  	_ = 	snop  }
0x6: {  	_ = 	snop  }
0x7: {  	_ = 	snop  }
__scs_overlays_trampoline_lowered:
0x8: {  	[smem:$0x3F9D] =	sst s0  }
0x9: {  	[smem:$0x3F9E] =	sst s1  }
0xa: {  	[smem:$0x3F9F] =	sst s2  }
0xb: {  	[smem:$0x3FA0] =	sst s3  }
0xc: {  	[smem:$0x3FA1] =	sst s4  }
0xd: {  	[smem:$0x3FA2] =	sst s5  }
0xe: {  	[smem:$0x3FA3] =	sst s6  }
0xf: {  	[smem:$0x3FA4] =	sst s7  }
0x10: {  	[smem:$0x3FA5] =	sst s8  }
0x11: {  	[smem:$0x3FA6] =	sst s9;
	s0 =	simm.s32 @!p0 $0x0  }
0x12: {  	s1 =	sld [smem:$0x3F8C];
	s0 =	simm.s32 @p0 $0x1  }
0x13: {  	[smem:$0x3FA7] =	sst s0;
	s0 =	simm.s32 @!p1 $0x0  }
0x14: {  	s2 =	sld [smem:$0x3F8B];
	s0 =	simm.s32 @p1 $0x1  }
0x15: {  	[smem:$0x3FA8] =	sst s0;
	s0 =	simm.s32 @!p2 $0x0  }
0x16: {  	s3 =	sld [smem:$0x3FDB];
	s0 =	simm.s32 @p2 $0x1  }
0x17: {  	s4 =	simm.s32 $0x1BF5;
	[smem:$0x3FAA] =	sst s0  }
0x18: {  	s0 =	sld [smem:$0x3F8D];
	_ =	swait.ge [sflag:s4], $0x0  }
0x19: {  	s7 =	sld [smem:$0x3F8E]  }
0x1a: {  	s8 =	sadd.s32 $0xFFFFE003, lr  }
0x1b: {  	s9 =	sadd.s32 $0xFFFFFEF7, lr;
	s5 =	simm.s32 $0xFFFFFFFF;
	p2 =	slt.u32 s8, $0xFFFFF086  }
0x1c: {  	p1 =	slt.u32 s9, $0xF7A;
	s5 =	simm.s32 @!p2 $0x0  }
0x1d: {  	s5 =	simm.s32 @p1 $0x1;
	p0 =	seq.s32 s7, s2  }
0x1e: {  	s7 =	smul.u32 @!p0 $0xF7A, s2;
	p2 =	seq.s32 @!p0 s5, $0x0  }
0x1f: {  	s9 =	smul.u32 $0xF7A, s1;
	s8 =	simm.s32 @!p0 $0x1BF5;
	p2 =	por !p2, p0  }
0x20: {  	[sflag:s8] =	ssyncset.s32 @!p0 $0xFFFFF086;
	s6 =	sadd.s32 @!p0 s3, s7;
	s7 =	simm.s32 @!p0 $0x108  }
0x21: {  	s3 =	sadd.s32 s3, s9;
	s6 =	sadd.s32 @!p0 $0x88, s6;
	s7 =	simm.s32 @p2 $0x1082  }
0x22: {  	[simem:s7], [sflag:s8] =	dma.local @!p0 [hbm:s6], $0xF7A  }
0x23: {  	s9 =	sor.u32 $0xD0000000, s2;
	s6 =	simm.s32 $0x108;
	_ =	swait.ge @!p0 [sflag:s8], $0x0  }
0x24: {  	s3 =	sadd.s32 $0x88, s3;
	s6 =	simm.s32 @!p1 $0x1082;
	[sflag:s4] =	ssyncset.s32 $0xFFFFF086  }
0x25: {  	[simem:s6], [sflag:s4] =	dma.local [hbm:s3], $0xF7A  }
0x26: {  	[smem:$0x3F8E] =	sst s1;
	(tag) =	ssettag s2;
	_ =	strace s9  }
0x27: {  	s1 =	sld [smem:$0x3F9E]  }
0x28: {  	s2 =	sld [smem:$0x3F9F]  }
0x29: {  	s4 =	sld [smem:$0x3FA1]  }
0x2a: {  	p0 =	seq.s32 s5, $0x0;
	s5 =	sld [smem:$0x3FA2]  }
0x2b: {  	s6 =	sld [smem:$0x3FA3]  }
0x2c: {  	s7 =	sld [smem:$0x3FA4]  }
0x2d: {  	s3 =	simm.s32 $0x108;
	s8 =	sld [smem:$0x3FA5]  }
0x2e: {  	s3 =	simm.s32 @!p0 $0x1082;
	s9 =	sld [smem:$0x3FA6]  }
0x2f: {  	lr =	sadd.s32 s0, s3;
	s0 =	sld [smem:$0x3F9D]  }
0x30: {  	s3 =	sld [smem:$0x3FA0]  }
0x31: {  	[smem:$0x3FA9] =	sst s10  }
0x32: {  	s10 =	sld [smem:$0x3FA7];
	_ =	sdelay $0x3  }
0x33: {  	p0 =	seq.s32 s10, $0x1;
	s10 =	sld [smem:$0x3FA9];
	_ =	sdelay $0x3  }
0x34: {  	[smem:$0x3FA9] =	sst s10  }
0x35: {  	s10 =	sld [smem:$0x3FA8];
	_ =	sdelay $0x3  }
0x36: {  	p1 =	seq.s32 s10, $0x1;
	s10 =	sld [smem:$0x3FA9];
	_ =	sdelay $0x3  }
0x37: {  	[smem:$0x3FA9] =	sst s10  }
0x38: {  	s10 =	sld [smem:$0x3FAA]  }
0x39: {  	_ = 	snop;
	(pc) =	sbr.ind lr, $3  }
0x3a: {  	_ = 	snop  }
0x3b: {  	_ = 	snop  }
0x3c: {  	p2 =	seq.s32 s10, $0x1;
	s10 =	sld [smem:$0x3FA9]  }
0x3d: {  	_ =	shalt  }
0x3e: {  	_ =	shalt  }
0x3f: {  	_ =	shalt  }
0x40: {  	_ =	shalt  }
0x41: {  	_ =	shalt  }
0x42: {  	_ =	shalt  }
0x43: {  	_ =	shalt  }
0x44: {  	_ =	shalt  }
0x45: {  	_ =	shalt  }
0x46: {  	_ =	shalt  }
0x47: {  	_ =	shalt  }
0x48: {  	_ =	shalt  }
0x49: {  	_ =	shalt  }
0x4a: {  	_ =	shalt  }
0x4b: {  	_ =	shalt  }
0x4c: {  	_ =	shalt  }
0x4d: {  	_ =	shalt  }
0x4e: {  	_ =	shalt  }
0x4f: {  	_ =	shalt  }
0x50: {  	_ =	shalt  }
0x51: {  	_ =	shalt  }
0x52: {  	_ =	shalt  }
0x53: {  	_ =	shalt  }
0x54: {  	_ =	shalt  }
0x55: {  	_ =	shalt  }
0x56: {  	_ =	shalt  }
0x57: {  	_ =	shalt  }
0x58: {  	_ =	shalt  }
0x59: {  	_ =	shalt  }
0x5a: {  	_ =	shalt  }
0x5b: {  	_ =	shalt  }
0x5c: {  	_ =	shalt  }
0x5d: {  	_ =	shalt  }
0x5e: {  	_ =	shalt  }
0x5f: {  	_ =	shalt  }
0x60: {  	_ =	shalt  }
0x61: {  	_ =	shalt  }
0x62: {  	_ =	shalt  }
0x63: {  	_ =	shalt  }
0x64: {  	_ =	shalt  }
0x65: {  	_ =	shalt  }
0x66: {  	_ =	shalt  }
0x67: {  	_ =	shalt  }
0x68: {  	_ =	shalt  }
0x69: {  	_ =	shalt  }
0x6a: {  	_ =	shalt  }
0x6b: {  	_ =	shalt  }
0x6c: {  	_ =	shalt  }
0x6d: {  	_ =	shalt  }
0x6e: {  	_ =	shalt  }
0x6f: {  	_ =	shalt  }
0x70: {  	_ =	shalt  }
0x71: {  	_ =	shalt  }
0x72: {  	_ =	shalt  }
0x73: {  	_ =	shalt  }
0x74: {  	_ =	shalt  }
0x75: {  	_ =	shalt  }
0x76: {  	_ =	shalt  }
0x77: {  	_ =	shalt  }
0x78: {  	_ =	shalt  }
0x79: {  	_ =	shalt  }
0x7a: {  	_ =	shalt  }
0x7b: {  	_ =	shalt  }
0x7c: {  	_ =	shalt  }
0x7d: {  	_ =	shalt  }
0x7e: {  	_ =	shalt  }
0x7f: {  	_ =	shalt  }
0x80: {  	_ =	shalt  }
0x81: {  	_ =	shalt  }
0x82: {  	_ =	shalt  }
0x83: {  	_ =	shalt  }
0x84: {  	_ =	shalt  }
0x85: {  	_ =	shalt  }
0x86: {  	_ =	shalt  }
0x87: {  	_ =	shalt  }
.Lfunc_end0:
.L_simem_size_0:
called_computation_lowered:
.L_overlay_start_0:
0x88: {  	s2 =	sld [smem:$0x3FD9]  }
0x89: {  	s3 =	sld [smem:$0x3FFE];
	_ =	sdelay $0x1  }
0x8a: {  	s1 =	srdreg.scid  }
0x8b: {  	s0 =	sand.u32 $0x1, s1  }
0x8c: {  	s16 =	sshll.u32 s0, $0xA;
	s2 =	sadd.s32 s3, s2  }
0x8d: {  	s2 =	sadd.s32 s2, s16  }
0x8e: {  	[smem:$0x3FB5] =	sst s2  }
0x8f: {  	_ = 	snop  }
0x90: {  	(tm) =	ssettm $0x1  }
0x91: {  	s17 =	sld [smem:$0x3FFB];
	_ =	sdelay $0x3  }
0x92: {  	_ =	strace s17  }
0x93: {  	s2 =	sld [smem:$0x3FFC];
	_ =	sdelay $0x3  }
0x94: {  	_ =	strace s2  }
0x95: {  	s2 =	sld [smem:$0x3FFD];
	_ =	sdelay $0x3  }
0x96: {  	_ =	strace s2  }
0x97: {  	_ =	strace $0x8FFFFFFF  }
0x98: {  	s18 =	sld [smem:$0x3FDB];
	_ =	sdelay $0x1  }
0x99: {  	s19 =	simm.s32 $_scs_section_size  }
0x9a: {  	s4 =	simm.s32 $_size__tile_overlayer_lowered;
	s5 =	simm.s32 $_tile_overlayer_lowered  }
0x9b: {  	s22 =	simm.s32 $0x1BFF;
	s21 =	sshll.u32 s5, $0x1;
	s2 =	sadd.s32 s19, s18  }
0x9c: {  	s6 =	simm.s32 $0x0;
	s20 =	sshll.u32 s4, $0x1;
	s4 =	sadd.s32 s21, s2  }
0x9d: {  	[timem:s6], [sflag:s22] =	dma.local [hbm:s4], s20  }
0x9e: {  	_ =	swait.ge [sflag:s22], s20  }
0x9f: {  	s3 =	ssub.s32 $0x0, s20;
	[sflag:s22] =	ssyncset.done $0x0  }
0xa0: {  	[sflag:s22] =	ssyncadd.s32 s3;
	_ =	sdelay $0x1  }
0xa1: {  	s23 =	simm.s32 $0x1B8B  }
0xa2: {  	_ =	swait.ge [sflag:s23], $0x1  }
0xa3: {  	[sflag:s23] =	ssyncset.done $0x0  }
0xa4: {  	s25 =	simm.s32 $0x1B8E;
	s24 =	sld [smem:$0x3FFE];
	[sflag:s23] =	ssyncadd.s32 $0xFFFFFFFF  }
0xa5: {  	s26 =	simm.s32 $execute0_lowered;
	[smem:$0x3FD2] =	sst s25  }
0xa6: {  	s4 =	sshll.u32 s26, $0x1;
	_ =	strace $0x80000046;
	[dreg:$0x1] =	wrdreg $0xFFFFFFFF  }
0xa7: {  	s28 =	simm.s32 $_size_execute0_lowered;
	s2 =	sadd.s32 s2, s4;
	[dreg:$0x0] =	wrdreg $0x0  }
0xa8: {  	s4 =	sshll.u32 s28, $0x1;
	[dreg:$0x2] =	wrdreg s2  }
0xa9: {  	[dreg:$0x3] =	wrdreg s4  }
0xaa: {  	[dreg:$0x4] =	wrdreg $0xC0  }
0xab: {  	_ =	task [dreg:s6], $0x5FFFF  }
0xac: {  	[dreg:$0x1] =	wrdreg $0xFFFFFFFF  }
0xad: {  	[dreg:$0x0] =	wrdreg $0x60  }
0xae: {  	[dreg:$0x2] =	wrdreg s24  }
0xaf: {  	[dreg:$0x3] =	wrdreg $0x9  }
0xb0: {  	_ =	task.clear_ibuf [dreg:s6], $0x4FFFF;
	_ =	strace $0x90000046  }
0xb1: {  	s29 =	simm.s32 $0x9;
	_ =	strace $0x80000048  }
0xb2: {  	_ =	swait.ge [sflag:s29], $0x1  }
0xb3: {  	[sflag:s29] =	ssyncadd.s32 $0xFFFFFFFF  }
0xb4: {  	_ =	strace $0x90000048  }
0xb5: {  	_ =	sfence  }
0xb6: {  	s30 =	sld [smem:$0x0];
	_ =	sdelay $0x2  }
0xb7: {  	s31 =	sshll.u32 s1, $0xD;
	s1 =	sshrl.u32 s1, $0x2  }
0xb8: {  	s3 =	sand.u32 $0x4000, s31;
	s1 =	sadd.s32 s1, s30  }
0xb9: {  	s0 =	sor.u32 s3, s0;
	s1 =	sshll.u32 s1, $0x11  }
0xba: {  	s0 =	sor.u32 s1, s0  }
0xbb: {  	s0 =	sadd.s32 $0x8F2B, s0  }
0xbc: {  	[sflag:s0] =	ssyncadd.remote.s32 $0x1  }
0xbd: {  	_ =	sfence.sel $0xFFFF  }
0xbe: {  	[dreg:$0x0] =	wrdreg $0xFFFFFFFF;
	(pc) =	sbr.abs _section_cstart, $3  }
0xbf: {  	[dreg:$0x1] =	wrdreg $0xFFFFFFFF  }
0xc0: {  	_ =	task.clear_ibuf [dreg:s6], $0x2FFFF;
	_ =	strace $0x9FFFFFFF  }
0xc1: {  	(tm) =	ssettm $0x7FFFFFFF  }
tec
execute0_lowered:
.L_overlay_start_1:
0x0: {  	(tag) =	ssettag $0x1  }
0x1: {  	s5 =	rddreg [dreg:$0x0]  }
0x2: {  	s0 =	rddreg [dreg:$0x1];
	s1 =	simm.s32 $0x0;
	s2 =	srdreg.scid  }
0x3: {  	s10 =	simm.s32 $0x196A0;
	s11 =	simm.s32 $0x0;
	[smem:$0x7FF] =	sst s1  }
0x4: {  	s6 =	sand.u32 $0x1, s2;
	s3 =	sadd.s32 $0x9EDA00, s5;
	s2 =	stileid.u32  }
0x5: {  	s4 =	sadd.s32 $0x2800, s5;
	s5 =	sadd.s32 $0x9F0E00, s5;
	s7 =	ssub.s32 $0x2, s6  }
0x6: {  	_ =	strace $0x80000047;
	s9 =	sshll.u32 s2, $0x1;
	s8 =	sshrl.u32 s7, $0x1  }
0x7: {  	s6 =	sor.u32 s6, s9;
	s9 =	simm.s32 $0x1;
	s7 =	ssub.s32 s7, s8  }
0x8: {  	s6 =	smul.u32 $0x1A, s6;
	s8 =	simm.s32 $0x186A0;
	s7 =	smax.u32 s7, $0x1  }
.LBB2_1:
0x9: {  	s12 =	simm.s32 $0x0  }
.LBB2_2:
0xa: {  	s15 =	sadd.s32 s6, s12  }
0xb: {  	s13 =	sshrl.u32 s15, $0x5;
	s14 =	sand.u32 $0x1F, s15;
	s15 =	sshll.u32 s15, $0x4  }
0xc: {  	s15 =	sand.u32 $0x1FFFFE00, s15;
	s16 =	smul.u32 $0x30D400, s13  }
0xd: {  	s17 =	simm.s32 $0x0;
	s18 =	smul.u32 $0x186A0, s14;
	s15 =	sadd.s32 s3, s15  }
0xe: {  	[tilespmem:s8], [sflag:$0x1] =	stream.linear.gather [hbm4b:s15+s17], $0x1000, $0x38;
	[tilespmem:$0x1A6A0] =	vst v63  }
0xf: {  	s31 =	sadd.s32 s18, s16;
	_ =	swait.ge [sflag:s9], $0x1000  }
0x10: {  	s15 =	sshrl.u32 s31, $0x3;
	[sflag:s9] =	ssyncset.done $0x0  }
0x11: {  	s15 =	sadd.s32 s4, s15;
	[sflag:s9] =	ssyncadd.s32 $0xFFFFF000  }
0x12: {  	[tilespmem:s17], [sflag:$0x1] =	stream.linear.gather [hbm4b:s15+s17], $0x186A0, $0x38;
	[tilespmem:$0x1A6A0] =	vst v63  }
0x13: {  	_ =	swait.ge [sflag:s9], $0x186A0  }
0x14: {  	[sflag:s9] =	ssyncset.done $0x0  }
0x15: {  	s15 =	simm.s32 $0x0;
	[sflag:s9] =	ssyncadd.s32 $0xFFFE7960  }
0x16: {  	v0 =	vld [tilespmem:s15+$0x186A0];
	_ =	sdelay $0x7  }
0x17: {  	s16 =	simm.s32 $0x10;
	s17 =	simm.s32 $0x80;
	v0 =	vld.idx.msk [tilespmem:v0+s1+$0x0], $0xffff  }
.LBB2_3:
0x18: {  	p0 =	sne.s32 s17, $0x3FC0;
	v1 =	vld [tilespmem:s16+$0x186A0];
	_ =	sdelay $0x3  }
.Ltmp0:
0x19: {  	(pc) =	sbr.rel @p0 .LBB2_3-.Ltmp0, $2  }
0x1a: {  	[tilespmem:s15+$0x196A0] =	vst v0;
	s15 =	smov.u32 s16;
	_ =	sdelay $0x2  }
0x1b: {  	s16 =	sshra.s32 s17, $0x2;
	s17 =	sadd.s32 $0x40, s17;
	v0 =	vld.idx.msk [tilespmem:v1+s1+$0x0], $0xffff  }
0x1c: {  	v1 =	vld [tilespmem:s16+$0x186A0];
	_ =	sdelay $0x6  }
0x1d: {  	[tilespmem:s15+$0x196A0] =	vst v0  }
0x1e: {  	v0 =	vld.idx.msk [tilespmem:v1+s1+$0x0], $0xffff;
	_ =	sdelay $0x2  }
0x1f: {  	s14 =	sshll.u32 s14, $0x9;
	s12 =	sadd.s32 $0x1, s12  }
0x20: {  	s13 =	sshll.u32 s13, $0xE;
	s14 =	sadd.s32 s5, s14;
	p0 =	sne.s32 s12, $0x1A  }
.Ltmp1:
0x21: {  	s13 =	sadd.s32 s13, s14;
	[tilespmem:s16+$0x196A0] =	vst v0;
	(pc) =	sbr.rel @p0 .LBB2_2-.Ltmp1, $4  }
0x22: {  	[hbm4b:s13+s1] =	stream.linear.scatter [tilespmem:s10], [sflag:$0x1], $0x1000, $0x38;
	[tilespmem:$0x1A6A0] =	vst v63  }
0x23: {  	_ =	swait.ge [sflag:s9], $0x1000  }
0x24: {  	[sflag:s9] =	ssyncset.done $0x0  }
0x25: {  	[sflag:s9] =	ssyncadd.s32 $0xFFFFF000  }
0x26: {  	s11 =	sadd.s32 $0x1, s11  }
0x27: {  	p0 =	sne.s32 s11, s7  }
.Ltmp2:
0x28: {  	_ = 	snop;
	(pc) =	sbr.rel @p0 .LBB2_1-.Ltmp2, $1  }
0x29: {  	_ =	sdelay $0x3  }
0x2a: {  	_ =	sfence.sel $0x180000  }
0x2b: {  	[bflag:$0x0] =	sbarrier.arrive $0xFFFF  }
0x2c: {  	p0 =	sne.s32 s2, $0x0;
	_ =	strace $0x90000047  }
0x2d: {  	s0 =	sadd.s32 @!p0 $0x100000, s0;
	[bflag:$0x2] =	sbarrier.arrive $0xFFFF  }
0x2e: {  	[sflag:s0] =	ssyncadd.tile.s32 @!p0 $0x1;
	_ =	shalt  }
.Lfunc_end2:
_tile_overlayer_lowered:
.L_overlay_start_2:
0x2f: {  	(tag) =	ssettag $0x2  }
0x30: {  	s0 =	rddreg [dreg:$0x0];
	s2 =	stileid.u32  }
0x31: {  	s1 =	rddreg [dreg:$0x1];
	p0 =	sne.s32 s2, $0x0  }
0x32: {  	s3 =	rddreg [dreg:$0x2];
	[bflag:$0x3] =	sbarrier.arrive $0xFFFF;
	s2 =	simm.s32 @!p0 $0x1C01  }
0x33: {  	[timem:s3], [sflag:s2] =	dma.local @!p0 [hbm:s0], s1  }
0x34: {  	s0 =	simm.s32 @!p0 $0x1  }
0x35: {  	_ =	swait.ge @!p0 [sflag:s0], s1  }
0x36: {  	s1 =	ssub.s32 @!p0 $0x0, s1;
	[sflag:s0] =	ssyncset.done @!p0 $0x0  }
0x37: {  	[sflag:s0] =	ssyncadd.s32 @!p0 s1  }
0x38: {  	[bflag:$0x3] =	sbarrier.arrive $0xFFFF  }
0x39: {  	_ =	shalt  }

</sc_bundles>
